<compile_context>
chip_gen: v7x
topology: tpu7x:2x2x1
jax: 0.10.2.dev20260603
libtpu: 0.0.44.dev20260713+nightly
codegen_flags: <defaults>
</compile_context>

<pallas_src>
import functools

import jax
import jax.numpy as jnp
from jax import lax
from jax.experimental import pallas as pl
from jax.experimental.pallas import tpu as pltpu
from jax.experimental.pallas import tpu_sc as plsc

N = 10000
D = 128
B = 512
HID = 64
C = 2

NC = 2
NS = 16
NW = NC * NS
CHUNK = 320
SUB = 80
NSUB = CHUNK // SUB
R = 640
RPW = R // NS
WB = 520 // RPW
OVERLAP = NW * CHUNK - N

NP = NW * CHUNK


def _sc_pool_body(x_hbm, batch_hbm, sums_hbm,
                  rows_v, idx_v, zsum_v, sums_sh, xsem, bsem):
    c = lax.axis_index("c")
    s = lax.axis_index("s")
    wid = c * NS + s
    base = jnp.minimum(wid * CHUNK, N - CHUNK)

    def start_stage(j, carry):
        pltpu.async_copy(x_hbm.at[pl.ds(base + j * SUB, SUB)],
                         rows_v.at[pl.ds(j * SUB, SUB)], xsem)
        pltpu.async_copy(batch_hbm.at[pl.ds(base + j * SUB, SUB)],
                         idx_v.at[j], bsem)
        return carry

    lax.fori_loop(0, NSUB, start_stage, 0)

    def fill_zeros(i, carry):
        for j in range(D // 16):
            zsum_v[i, pl.ds(j * 16, 16)] = jnp.zeros((16,), jnp.float32)
        return carry

    lax.fori_loop(0, RPW, fill_zeros, 0)

    pltpu.sync_copy(zsum_v, sums_sh.at[pl.ds(s * RPW, RPW)])

    def wait_batch(j, carry):
        pltpu.make_async_copy(batch_hbm.at[pl.ds(base + j * SUB, SUB)],
                              idx_v.at[j], bsem).wait()
        return carry

    lax.fori_loop(0, NSUB, wait_batch, 0)

    @pl.when(wid == NW - 1)
    def _():
        def patch(k, carry):
            idx_v[k // (SUB // 16), pl.ds((k % (SUB // 16)) * 16, 16)] = (
                jnp.full((16,), B, jnp.int32))
            return carry

        lax.fori_loop(0, OVERLAP // 16, patch, 0)

    plsc.subcore_barrier()

    def scat(j, carry):
        pltpu.make_async_copy(x_hbm.at[pl.ds(base + j * SUB, SUB)],
                              rows_v.at[pl.ds(j * SUB, SUB)], xsem).wait()
        pltpu.sync_copy(rows_v.at[pl.ds(j * SUB, SUB)],
                        sums_sh.at[idx_v.at[j]], add=True)
        return carry

    lax.fori_loop(0, NSUB, scat, 0)

    plsc.subcore_barrier()

    @pl.when(s < WB)
    def _():
        pltpu.sync_copy(sums_sh.at[pl.ds(s * RPW, RPW)],
                        sums_hbm.at[c, pl.ds(s * RPW, RPW)])


@functools.cache
def _sc_pool():
    mesh = plsc.VectorSubcoreMesh(core_axis_name="c", subcore_axis_name="s",
                                  num_cores=NC, num_subcores=NS)
    return pl.kernel(
        _sc_pool_body,
        out_type=jax.ShapeDtypeStruct((NC, WB * RPW, D), jnp.float32),
        mesh=mesh,
        scratch_types=[
            pltpu.VMEM((CHUNK, D), jnp.float32),
            pltpu.VMEM((NSUB, SUB), jnp.int32),
            pltpu.VMEM((RPW, D), jnp.float32),
            pltpu.VMEM_SHARED((R, D), jnp.float32),
            pltpu.SemaphoreType.DMA,
            pltpu.SemaphoreType.DMA,
        ],
    )


def _hist_body(idr_ref, cnt_ref):
    idr = idr_ref[...]
    hi_ohT = (lax.broadcasted_iota(jnp.int32, (32, 1), 0)
              == idr // 16).astype(jnp.float32)
    lo_ohT = (lax.broadcasted_iota(jnp.int32, (16, 1), 0)
              == idr - (idr // 16) * 16).astype(jnp.float32)
    grid = lax.dot_general(hi_ohT, lo_ohT, (((1,), (1,)), ((), ())),
                           preferred_element_type=jnp.float32)
    bidx = lax.broadcasted_iota(jnp.int32, (B, 1), 0)
    sel_h = (bidx // 16 == lax.broadcasted_iota(jnp.int32, (1, 32), 1)).astype(
        jnp.float32)
    sel_l = (bidx - (bidx // 16) * 16
             == lax.broadcasted_iota(jnp.int32, (1, 16), 1)).astype(
        jnp.float32)
    cnt_ref[...] = jnp.sum(
        jnp.dot(sel_h, grid, preferred_element_type=jnp.float32) * sel_l,
        axis=1, keepdims=True)


def _mlp_body(sums_ref, cnt_ref, w1_ref, b1_ref, w2_ref, b2_ref, out_ref):
    cnt = cnt_ref[...]
    sums = (sums_ref[0] + sums_ref[1])[:B]
    g = jnp.where(cnt > 0, sums / jnp.maximum(cnt, 1.0), 0.0)
    h = jnp.maximum(
        jnp.dot(g, w1_ref[...], preferred_element_type=jnp.float32)
        + b1_ref[...], 0.0)
    out_ref[...] = (
        jnp.dot(h, w2_ref[...], preferred_element_type=jnp.float32)
        + b2_ref[...])


def kernel(x, edge_index, batch, W1, b1, W2, b2):
    del edge_index
    ids = jnp.concatenate([batch, jnp.full((NP - N,), B, jnp.int32)])
    cnt = pl.pallas_call(
        _hist_body,
        out_shape=jax.ShapeDtypeStruct((B, 1), jnp.float32),
    )(ids.reshape(1, NP))
    sums = _sc_pool()(x, batch)
    return pl.pallas_call(
        _mlp_body,
        out_shape=jax.ShapeDtypeStruct((B, C), jnp.float32),
    )(sums, cnt, W1, b1.reshape(1, HID), W2, b2.reshape(1, C))

# --- scband reference (transcript-rebuilt; emitter-appended) ---
"""Pipeline reference for scband-node-feature-wrapper-70875550318676 (READ-ONLY COPY).

The authoritative reference and input builder live on the scoring server;
editing this copy changes nothing except your own understanding.
"""

import jax, jax.numpy as jnp
import numpy as np

N = 10000
E = 320000
D = 128
B = 512
HID = 64  # max(64, D // 2) with D=128 -> 64
C = 2     # default num_classes


def setup_inputs(seed: int = 0) -> dict:
    key = jax.random.key(seed)
    ks = jax.random.split(key, 8)
    x = jax.random.normal(ks[0], (N, D), dtype=jnp.float32)
    edge_index = jax.random.randint(ks[1], (2, E), 0, N, dtype=jnp.int32)
    batch = jnp.sort(jax.random.randint(ks[2], (N,), 0, B, dtype=jnp.int32))
    # fallback classification head params: Linear(D->HID), ReLU, Linear(HID->C)
    W1 = jax.random.normal(ks[3], (D, HID), dtype=jnp.float32) * 0.05
    b1 = jnp.zeros((HID,), dtype=jnp.float32)
    W2 = jax.random.normal(ks[4], (HID, C), dtype=jnp.float32) * 0.05
    b2 = jnp.zeros((C,), dtype=jnp.float32)
    return {"x": x, "edge_index": edge_index, "batch": batch,
            "W1": W1, "b1": b1, "W2": W2, "b2": b2}


def reference(x, edge_index, batch, W1, b1, W2, b2):
    # base_model=None => self.gnn is None => _run_gnn returns x unchanged
    h = x
    # global_mean_pool(h, batch): segment mean over graph ids (scatter-add + count)
    sums = jax.ops.segment_sum(h, batch, num_segments=B)
    cnt = jax.ops.segment_sum(jnp.ones((h.shape[0],), dtype=h.dtype), batch, num_segments=B)
    g = jnp.where(cnt[:, None] > 0, sums / jnp.maximum(cnt[:, None], 1.0), 0.0)
    # fallback head: Linear -> ReLU -> Linear
    logits = jnp.maximum(g @ W1 + b1, 0.0) @ W2 + b2
    return logits

if __name__ == "__main__":
    import jax
    _d = setup_inputs()
    print(jax.jit(kernel)(*tuple(_d.values())))

</pallas_src>

<mosaic_0001>
#map = affine_map<(d0, d1) -> (0, 0)>
#map1 = affine_map<(d0, d1) -> (0)>
#map2 = affine_map<(d0, d1) -> (0, 0, 0)>
module attributes {stable_mosaic.version = 14 : i64} {
  func.func @_sc_pool_body(%arg0: i32, %arg1: i32, %arg2: memref<10000x128xf32, #tpu.memory_space<hbm>>, %arg3: memref<10000xi32, #tpu.memory_space<hbm>>, %arg4: memref<2x520x128xf32, #tpu.memory_space<hbm>>, %arg5: memref<320x128xf32, #tpu.memory_space<vmem>>, %arg6: memref<4x80xi32, #tpu.memory_space<vmem>>, %arg7: memref<40x128xf32, #tpu.memory_space<vmem>>, %arg8: memref<640x128xf32, #tpu.memory_space<vmem_shared>>, %arg9: memref<!tpu.dma_semaphore, #tpu.memory_space<semaphore_mem>>, %arg10: memref<!tpu.dma_semaphore, #tpu.memory_space<semaphore_mem>>) attributes {dimension_semantics = [#tpu.dimension_semantics<core_parallel>, #tpu.dimension_semantics<subcore_parallel>], iteration_bounds = array<i64: 2, 16>, scalar_prefetch = 0 : i64, scratch_operands = 6 : i64, tpu.core_type = #tpu.core_type<sc_vector_subcore>, window_params = [{transform_indices = #map}, {transform_indices = #map1}, {transform_indices = #map2}]} {
    %mul3A = arith.constant 16 : i32
    %mul3A_0 = arith.muli %arg0, %mul3A : i32
    %add3A = arith.addi %mul3A_0, %arg1 : i32
    %mul3A_1 = arith.constant 320 : i32
    %mul3A_2 = arith.muli %add3A, %mul3A_1 : i32
    %min3A = arith.constant 9680 : i32
    %min3A_3 = arith.minsi %mul3A_2, %min3A : i32
    %scan3A = arith.constant 0 : i32
    %scan3A_4 = arith.constant 0 : i32
    %scan3A_5 = arith.constant 4 : i32
    %scan3A_6 = arith.addi %scan3A_4, %scan3A_5 : i32
    %scan3A_7 = arith.constant 1 : i32
    scf.for %scan3A_36 = %scan3A_4 to %scan3A_6 step %scan3A_7  : i32 {
      %mul3A_37 = arith.constant 80 : i32
      %mul3A_38 = arith.muli %scan3A_36, %mul3A_37 : i32
      %add3A_39 = arith.addi %min3A_3, %mul3A_38 : i32
      %mul3A_40 = arith.constant 80 : i32
      %mul3A_41 = arith.muli %scan3A_36, %mul3A_40 : i32
      %dma_start3A = arith.constant 0 : i32
      %dma_start3A_42 = tpu.memref_slice %arg5[%mul3A_41, %dma_start3A] : memref<320x128xf32, #tpu.memory_space<vmem>> -> memref<80x128xf32, #tpu.memory_space<vmem>>
      %dma_start3A_43 = arith.constant 0 : i32
      %dma_start3A_44 = tpu.memref_slice %arg2[%add3A_39, %dma_start3A_43] : memref<10000x128xf32, #tpu.memory_space<hbm>> -> memref<80x128xf32, #tpu.memory_space<hbm>>
      %dma_start3A_45 = arith.constant 0 : i32
      %dma_start3A_46 = tpu.memref_slice %arg5[%mul3A_41, %dma_start3A_45] : memref<320x128xf32, #tpu.memory_space<vmem>> -> memref<80x128xf32, #tpu.memory_space<vmem>>
      %dma_start3A_47 = arith.constant 0 : i32
      %dma_start3A_48 = tpu.memref_slice %arg2[%add3A_39, %dma_start3A_47] : memref<10000x128xf32, #tpu.memory_space<hbm>> -> memref<80x128xf32, #tpu.memory_space<hbm>>
      tpu.enqueue_dma source(%dma_start3A_48 : memref<80x128xf32, #tpu.memory_space<hbm>>) target(%dma_start3A_46 : memref<80x128xf32, #tpu.memory_space<vmem>>) target_semaphore(%arg9 : memref<!tpu.dma_semaphore, #tpu.memory_space<semaphore_mem>>)
      %mul3A_49 = arith.constant 80 : i32
      %mul3A_50 = arith.muli %scan3A_36, %mul3A_49 : i32
      %add3A_51 = arith.addi %min3A_3, %mul3A_50 : i32
      %dma_start3A_52 = arith.constant 0 : i32
      %dma_start3A_53 = tpu.memref_slice %arg6[%scan3A_36, %dma_start3A_52] : memref<4x80xi32, #tpu.memory_space<vmem>> -> memref<1x80xi32, #tpu.memory_space<vmem>>
      %dma_start3A_54 = tpu.memref_squeeze %dma_start3A_53 : memref<1x80xi32, #tpu.memory_space<vmem>> -> memref<80xi32, #tpu.memory_space<vmem>>
      %dma_start3A_55 = tpu.memref_slice %arg3[%add3A_51] : memref<10000xi32, #tpu.memory_space<hbm>> -> memref<80xi32, #tpu.memory_space<hbm>>
      %dma_start3A_56 = arith.constant 0 : i32
      %dma_start3A_57 = tpu.memref_slice %arg6[%scan3A_36, %dma_start3A_56] : memref<4x80xi32, #tpu.memory_space<vmem>> -> memref<1x80xi32, #tpu.memory_space<vmem>>
      %dma_start3A_58 = tpu.memref_squeeze %dma_start3A_57 : memref<1x80xi32, #tpu.memory_space<vmem>> -> memref<80xi32, #tpu.memory_space<vmem>>
      %dma_start3A_59 = tpu.memref_slice %arg3[%add3A_51] : memref<10000xi32, #tpu.memory_space<hbm>> -> memref<80xi32, #tpu.memory_space<hbm>>
      tpu.enqueue_dma source(%dma_start3A_59 : memref<80xi32, #tpu.memory_space<hbm>>) target(%dma_start3A_58 : memref<80xi32, #tpu.memory_space<vmem>>) target_semaphore(%arg10 : memref<!tpu.dma_semaphore, #tpu.memory_space<semaphore_mem>>)
    }
    %scan3A_8 = arith.constant 4 : i32
    %scan3A_9 = arith.constant 0 : i32
    %scan3A_10 = arith.constant 0 : i32
    %scan3A_11 = arith.constant 40 : i32
    %scan3A_12 = arith.addi %scan3A_10, %scan3A_11 : i32
    %scan3A_13 = arith.constant 1 : i32
    scf.for %scan3A_36 = %scan3A_10 to %scan3A_12 step %scan3A_13  : i32 {
      %broadcast_in_dim3A = arith.constant 0.000000e+00 : f32
      %broadcast_in_dim3A_37 = vector.broadcast %broadcast_in_dim3A : f32 to vector<16xf32>
      %swap3A = arith.index_cast %scan3A_36 : i32 to index
      %swap3A_38 = arith.constant 0 : index
      %swap3A_39 = tpu.vector_load %arg7[%swap3A, %swap3A_38] {strides = array<i32>} : memref<40x128xf32, #tpu.memory_space<vmem>>, vector<1x16xf32>,
      %swap3A_40 = vector.shape_cast %swap3A_39 : vector<1x16xf32> to vector<16xf32>
      %swap3A_41 = vector.shape_cast %broadcast_in_dim3A_37 : vector<16xf32> to vector<1x16xf32>
      tpu.vector_store %arg7[%swap3A, %swap3A_38], %swap3A_41 {strides = array<i32>} : memref<40x128xf32, #tpu.memory_space<vmem>>, vector<1x16xf32>,
      %broadcast_in_dim3A_42 = arith.constant 0.000000e+00 : f32
      %broadcast_in_dim3A_43 = vector.broadcast %broadcast_in_dim3A_42 : f32 to vector<16xf32>
      %swap3A_44 = arith.index_cast %scan3A_36 : i32 to index
      %swap3A_45 = arith.constant 16 : index
      %swap3A_46 = tpu.vector_load %arg7[%swap3A_44, %swap3A_45] {strides = array<i32>} : memref<40x128xf32, #tpu.memory_space<vmem>>, vector<1x16xf32>,
      %swap3A_47 = vector.shape_cast %swap3A_46 : vector<1x16xf32> to vector<16xf32>
      %swap3A_48 = vector.shape_cast %broadcast_in_dim3A_43 : vector<16xf32> to vector<1x16xf32>
      tpu.vector_store %arg7[%swap3A_44, %swap3A_45], %swap3A_48 {strides = array<i32>} : memref<40x128xf32, #tpu.memory_space<vmem>>, vector<1x16xf32>,
      %broadcast_in_dim3A_49 = arith.constant 0.000000e+00 : f32
      %broadcast_in_dim3A_50 = vector.broadcast %broadcast_in_dim3A_49 : f32 to vector<16xf32>
      %swap3A_51 = arith.index_cast %scan3A_36 : i32 to index
      %swap3A_52 = arith.constant 32 : index
      %swap3A_53 = tpu.vector_load %arg7[%swap3A_51, %swap3A_52] {strides = array<i32>} : memref<40x128xf32, #tpu.memory_space<vmem>>, vector<1x16xf32>,
      %swap3A_54 = vector.shape_cast %swap3A_53 : vector<1x16xf32> to vector<16xf32>
      %swap3A_55 = vector.shape_cast %broadcast_in_dim3A_50 : vector<16xf32> to vector<1x16xf32>
      tpu.vector_store %arg7[%swap3A_51, %swap3A_52], %swap3A_55 {strides = array<i32>} : memref<40x128xf32, #tpu.memory_space<vmem>>, vector<1x16xf32>,
      %broadcast_in_dim3A_56 = arith.constant 0.000000e+00 : f32
      %broadcast_in_dim3A_57 = vector.broadcast %broadcast_in_dim3A_56 : f32 to vector<16xf32>
      %swap3A_58 = arith.index_cast %scan3A_36 : i32 to index
      %swap3A_59 = arith.constant 48 : index
      %swap3A_60 = tpu.vector_load %arg7[%swap3A_58, %swap3A_59] {strides = array<i32>} : memref<40x128xf32, #tpu.memory_space<vmem>>, vector<1x16xf32>,
      %swap3A_61 = vector.shape_cast %swap3A_60 : vector<1x16xf32> to vector<16xf32>
      %swap3A_62 = vector.shape_cast %broadcast_in_dim3A_57 : vector<16xf32> to vector<1x16xf32>
      tpu.vector_store %arg7[%swap3A_58, %swap3A_59], %swap3A_62 {strides = array<i32>} : memref<40x128xf32, #tpu.memory_space<vmem>>, vector<1x16xf32>,
      %broadcast_in_dim3A_63 = arith.constant 0.000000e+00 : f32
      %broadcast_in_dim3A_64 = vector.broadcast %broadcast_in_dim3A_63 : f32 to vector<16xf32>
      %swap3A_65 = arith.index_cast %scan3A_36 : i32 to index
      %swap3A_66 = arith.constant 64 : index
      %swap3A_67 = tpu.vector_load %arg7[%swap3A_65, %swap3A_66] {strides = array<i32>} : memref<40x128xf32, #tpu.memory_space<vmem>>, vector<1x16xf32>,
      %swap3A_68 = vector.shape_cast %swap3A_67 : vector<1x16xf32> to vector<16xf32>
      %swap3A_69 = vector.shape_cast %broadcast_in_dim3A_64 : vector<16xf32> to vector<1x16xf32>
      tpu.vector_store %arg7[%swap3A_65, %swap3A_66], %swap3A_69 {strides = array<i32>} : memref<40x128xf32, #tpu.memory_space<vmem>>, vector<1x16xf32>,
      %broadcast_in_dim3A_70 = arith.constant 0.000000e+00 : f32
      %broadcast_in_dim3A_71 = vector.broadcast %broadcast_in_dim3A_70 : f32 to vector<16xf32>
      %swap3A_72 = arith.index_cast %scan3A_36 : i32 to index
      %swap3A_73 = arith.constant 80 : index
      %swap3A_74 = tpu.vector_load %arg7[%swap3A_72, %swap3A_73] {strides = array<i32>} : memref<40x128xf32, #tpu.memory_space<vmem>>, vector<1x16xf32>,
      %swap3A_75 = vector.shape_cast %swap3A_74 : vector<1x16xf32> to vector<16xf32>
      %swap3A_76 = vector.shape_cast %broadcast_in_dim3A_71 : vector<16xf32> to vector<1x16xf32>
      tpu.vector_store %arg7[%swap3A_72, %swap3A_73], %swap3A_76 {strides = array<i32>} : memref<40x128xf32, #tpu.memory_space<vmem>>, vector<1x16xf32>,
      %broadcast_in_dim3A_77 = arith.constant 0.000000e+00 : f32
      %broadcast_in_dim3A_78 = vector.broadcast %broadcast_in_dim3A_77 : f32 to vector<16xf32>
      %swap3A_79 = arith.index_cast %scan3A_36 : i32 to index
      %swap3A_80 = arith.constant 96 : index
      %swap3A_81 = tpu.vector_load %arg7[%swap3A_79, %swap3A_80] {strides = array<i32>} : memref<40x128xf32, #tpu.memory_space<vmem>>, vector<1x16xf32>,
      %swap3A_82 = vector.shape_cast %swap3A_81 : vector<1x16xf32> to vector<16xf32>
      %swap3A_83 = vector.shape_cast %broadcast_in_dim3A_78 : vector<16xf32> to vector<1x16xf32>
      tpu.vector_store %arg7[%swap3A_79, %swap3A_80], %swap3A_83 {strides = array<i32>} : memref<40x128xf32, #tpu.memory_space<vmem>>, vector<1x16xf32>,
      %broadcast_in_dim3A_84 = arith.constant 0.000000e+00 : f32
      %broadcast_in_dim3A_85 = vector.broadcast %broadcast_in_dim3A_84 : f32 to vector<16xf32>
      %swap3A_86 = arith.index_cast %scan3A_36 : i32 to index
      %swap3A_87 = arith.constant 112 : index
      %swap3A_88 = tpu.vector_load %arg7[%swap3A_86, %swap3A_87] {strides = array<i32>} : memref<40x128xf32, #tpu.memory_space<vmem>>, vector<1x16xf32>,
      %swap3A_89 = vector.shape_cast %swap3A_88 : vector<1x16xf32> to vector<16xf32>
      %swap3A_90 = vector.shape_cast %broadcast_in_dim3A_85 : vector<16xf32> to vector<1x16xf32>
      tpu.vector_store %arg7[%swap3A_86, %swap3A_87], %swap3A_90 {strides = array<i32>} : memref<40x128xf32, #tpu.memory_space<vmem>>, vector<1x16xf32>,
    }
    %scan3A_14 = arith.constant 40 : i32
    %mul3A_15 = arith.constant 40 : i32
    %mul3A_16 = arith.muli %arg1, %mul3A_15 : i32
    "tpu.region"() ({
      %run_scoped3A = tpu.sem_alloc : memref<!tpu.dma_semaphore, #tpu.memory_space<semaphore_mem>>
      %dma_start3A = arith.constant 0 : i32
      %dma_start3A_36 = tpu.memref_slice %arg8[%mul3A_16, %dma_start3A] : memref<640x128xf32, #tpu.memory_space<vmem_shared>> -> memref<40x128xf32, #tpu.memory_space<vmem_shared>>
      %dma_start3A_37 = arith.constant 0 : i32
      %dma_start3A_38 = tpu.memref_slice %arg8[%mul3A_16, %dma_start3A_37] : memref<640x128xf32, #tpu.memory_space<vmem_shared>> -> memref<40x128xf32, #tpu.memory_space<vmem_shared>>
      tpu.enqueue_dma source(%arg7 : memref<40x128xf32, #tpu.memory_space<vmem>>) target(%dma_start3A_38 : memref<40x128xf32, #tpu.memory_space<vmem_shared>>) target_semaphore(%run_scoped3A : memref<!tpu.dma_semaphore, #tpu.memory_space<semaphore_mem>>)
      %dma_wait3A = arith.constant 0 : i32
      %dma_wait3A_39 = tpu.memref_slice %arg8[%mul3A_16, %dma_wait3A] : memref<640x128xf32, #tpu.memory_space<vmem_shared>> -> memref<40x128xf32, #tpu.memory_space<vmem_shared>>
      %dma_wait3A_40 = arith.constant 0 : i32
      %dma_wait3A_41 = tpu.memref_slice %arg8[%mul3A_16, %dma_wait3A_40] : memref<640x128xf32, #tpu.memory_space<vmem_shared>> -> memref<40x128xf32, #tpu.memory_space<vmem_shared>>
      tpu.wait_dma2 semaphore(%run_scoped3A : memref<!tpu.dma_semaphore, #tpu.memory_space<semaphore_mem>>) src(%arg7 : memref<40x128xf32, #tpu.memory_space<vmem>>) dst(%dma_wait3A_41 : memref<40x128xf32, #tpu.memory_space<vmem_shared>>)
      tpu.yield
    }) : () -> ()
    %scan3A_17 = arith.constant 0 : i32
    %scan3A_18 = arith.constant 0 : i32
    %scan3A_19 = arith.constant 4 : i32
    %scan3A_20 = arith.addi %scan3A_18, %scan3A_19 : i32
    %scan3A_21 = arith.constant 1 : i32
    scf.for %scan3A_36 = %scan3A_18 to %scan3A_20 step %scan3A_21  : i32 {
      %mul3A_37 = arith.constant 80 : i32
      %mul3A_38 = arith.muli %scan3A_36, %mul3A_37 : i32
      %add3A_39 = arith.addi %min3A_3, %mul3A_38 : i32
      %dma_wait3A = arith.constant 0 : i32
      %dma_wait3A_40 = tpu.memref_slice %arg6[%scan3A_36, %dma_wait3A] : memref<4x80xi32, #tpu.memory_space<vmem>> -> memref<1x80xi32, #tpu.memory_space<vmem>>
      %dma_wait3A_41 = tpu.memref_squeeze %dma_wait3A_40 : memref<1x80xi32, #tpu.memory_space<vmem>> -> memref<80xi32, #tpu.memory_space<vmem>>
      %dma_wait3A_42 = tpu.memref_slice %arg3[%add3A_39] : memref<10000xi32, #tpu.memory_space<hbm>> -> memref<80xi32, #tpu.memory_space<hbm>>
      %dma_wait3A_43 = arith.constant 0 : i32
      %dma_wait3A_44 = tpu.memref_slice %arg6[%scan3A_36, %dma_wait3A_43] : memref<4x80xi32, #tpu.memory_space<vmem>> -> memref<1x80xi32, #tpu.memory_space<vmem>>
      %dma_wait3A_45 = tpu.memref_squeeze %dma_wait3A_44 : memref<1x80xi32, #tpu.memory_space<vmem>> -> memref<80xi32, #tpu.memory_space<vmem>>
      %dma_wait3A_46 = tpu.memref_slice %arg3[%add3A_39] : memref<10000xi32, #tpu.memory_space<hbm>> -> memref<80xi32, #tpu.memory_space<hbm>>
      tpu.wait_dma2 semaphore(%arg10 : memref<!tpu.dma_semaphore, #tpu.memory_space<semaphore_mem>>) src(%dma_wait3A_46 : memref<80xi32, #tpu.memory_space<hbm>>) dst(%dma_wait3A_45 : memref<80xi32, #tpu.memory_space<vmem>>)
    }
    %scan3A_22 = arith.constant 4 : i32
    %eq3A = arith.constant 31 : i32
    %eq3A_23 = arith.cmpi eq, %add3A, %eq3A : i32
    %convert_element_type3A = arith.extui %eq3A_23 : i1 to i32
    %cond3A = arith.constant 0 : i32
    %cond3A_24 = arith.cmpi ne, %convert_element_type3A, %cond3A : i32
    scf.if %cond3A_24 {
      %scan3A_36 = arith.constant 0 : i32
      %scan3A_37 = arith.constant 0 : i32
      %scan3A_38 = arith.constant 15 : i32
      %scan3A_39 = arith.addi %scan3A_37, %scan3A_38 : i32
      %scan3A_40 = arith.constant 1 : i32
      scf.for %scan3A_42 = %scan3A_37 to %scan3A_39 step %scan3A_40  : i32 {
        %broadcast_in_dim3A = arith.constant 512 : i32
        %broadcast_in_dim3A_43 = vector.broadcast %broadcast_in_dim3A : i32 to vector<16xi32>
        %jit3A = arith.constant 5 : i32
        %div3A = arith.divsi %scan3A_42, %jit3A : i32
        %sign3A = arith.constant 0 : i32
        %sign3A_44 = arith.cmpi sgt, %scan3A_42, %sign3A : i32
        %sign3A_45 = arith.extui %sign3A_44 : i1 to i32
        %sign3A_46 = arith.constant 0 : i32
        %sign3A_47 = arith.cmpi slt, %scan3A_42, %sign3A_46 : i32
        %sign3A_48 = arith.extui %sign3A_47 : i1 to i32
        %sign3A_49 = arith.subi %sign3A_45, %sign3A_48 : i32
        %sign3A_50 = arith.constant 0 : i32
        %sign3A_51 = arith.cmpi sgt, %jit3A, %sign3A_50 : i32
        %sign3A_52 = arith.extui %sign3A_51 : i1 to i32
        %sign3A_53 = arith.constant 0 : i32
        %sign3A_54 = arith.cmpi slt, %jit3A, %sign3A_53 : i32
        %sign3A_55 = arith.extui %sign3A_54 : i1 to i32
        %sign3A_56 = arith.subi %sign3A_52, %sign3A_55 : i32
        %ne3A = arith.cmpi ne, %sign3A_49, %sign3A_56 : i32
        %rem3A = arith.remsi %scan3A_42, %jit3A : i32
        %ne3A_57 = arith.constant 0 : i32
        %ne3A_58 = arith.cmpi ne, %rem3A, %ne3A_57 : i32
        %and3A = arith.andi %ne3A, %ne3A_58 : i1
        %sub3A = arith.constant 1 : i32
        %sub3A_59 = arith.subi %div3A, %sub3A : i32
        %select_n3A = arith.select %and3A, %sub3A_59, %div3A : i32
        %jit3A_60 = arith.constant 5 : i32
        %eq3A_61 = arith.constant 0 : i32
        %eq3A_62 = arith.cmpi eq, %jit3A_60, %eq3A_61 : i32
        %jit3A_63 = arith.constant 1 : i32
        %select_n3A_64 = arith.select %eq3A_62, %jit3A_63, %jit3A_60 : i32
        %rem3A_65 = arith.remsi %scan3A_42, %select_n3A_64 : i32
        %ne3A_66 = arith.constant 0 : i32
        %ne3A_67 = arith.cmpi ne, %rem3A_65, %ne3A_66 : i32
        %lt3A_68 = arith.constant 0 : i32
        %lt3A_69 = arith.cmpi slt, %rem3A_65, %lt3A_68 : i32
        %lt3A_70 = arith.constant 0 : i32
        %lt3A_71 = arith.cmpi slt, %select_n3A_64, %lt3A_70 : i32
        %ne3A_72 = arith.xori %lt3A_69, %lt3A_71 : i1
        %and3A_73 = arith.andi %ne3A_72, %ne3A_67 : i1
        %add3A_74 = arith.addi %rem3A_65, %select_n3A_64 : i32
        %select_n3A_75 = arith.select %and3A_73, %add3A_74, %rem3A_65 : i32
        %mul3A_76 = arith.constant 16 : i32
        %mul3A_77 = arith.muli %select_n3A_75, %mul3A_76 : i32
        %swap3A = arith.index_cast %select_n3A : i32 to index
        %swap3A_78 = arith.index_cast %mul3A_77 : i32 to index
        %swap3A_79 = tpu.vector_load %arg6[%swap3A, %swap3A_78] {strides = array<i32>} : memref<4x80xi32, #tpu.memory_space<vmem>>, vector<1x16xi32>,
        %swap3A_80 = vector.shape_cast %swap3A_79 : vector<1x16xi32> to vector<16xi32>
        %swap3A_81 = vector.shape_cast %broadcast_in_dim3A_43 : vector<16xi32> to vector<1x16xi32>
        tpu.vector_store %arg6[%swap3A, %swap3A_78], %swap3A_81 {strides = array<i32>} : memref<4x80xi32, #tpu.memory_space<vmem>>, vector<1x16xi32>,
      }
      %scan3A_41 = arith.constant 15 : i32
    } else {
    }
    %barrier3A = arith.constant 0 : index
    tpu.barrier barrier_id(%barrier3A)
    %scan3A_25 = arith.constant 0 : i32
    %scan3A_26 = arith.constant 0 : i32
    %scan3A_27 = arith.constant 4 : i32
    %scan3A_28 = arith.addi %scan3A_26, %scan3A_27 : i32
    %scan3A_29 = arith.constant 1 : i32
    scf.for %scan3A_36 = %scan3A_26 to %scan3A_28 step %scan3A_29  : i32 {
      %mul3A_37 = arith.constant 80 : i32
      %mul3A_38 = arith.muli %scan3A_36, %mul3A_37 : i32
      %add3A_39 = arith.addi %min3A_3, %mul3A_38 : i32
      %mul3A_40 = arith.constant 80 : i32
      %mul3A_41 = arith.muli %scan3A_36, %mul3A_40 : i32
      %dma_wait3A = arith.constant 0 : i32
      %dma_wait3A_42 = tpu.memref_slice %arg5[%mul3A_41, %dma_wait3A] : memref<320x128xf32, #tpu.memory_space<vmem>> -> memref<80x128xf32, #tpu.memory_space<vmem>>
      %dma_wait3A_43 = arith.constant 0 : i32
      %dma_wait3A_44 = tpu.memref_slice %arg2[%add3A_39, %dma_wait3A_43] : memref<10000x128xf32, #tpu.memory_space<hbm>> -> memref<80x128xf32, #tpu.memory_space<hbm>>
      %dma_wait3A_45 = arith.constant 0 : i32
      %dma_wait3A_46 = tpu.memref_slice %arg5[%mul3A_41, %dma_wait3A_45] : memref<320x128xf32, #tpu.memory_space<vmem>> -> memref<80x128xf32, #tpu.memory_space<vmem>>
      %dma_wait3A_47 = arith.constant 0 : i32
      %dma_wait3A_48 = tpu.memref_slice %arg2[%add3A_39, %dma_wait3A_47] : memref<10000x128xf32, #tpu.memory_space<hbm>> -> memref<80x128xf32, #tpu.memory_space<hbm>>
      tpu.wait_dma2 semaphore(%arg9 : memref<!tpu.dma_semaphore, #tpu.memory_space<semaphore_mem>>) src(%dma_wait3A_48 : memref<80x128xf32, #tpu.memory_space<hbm>>) dst(%dma_wait3A_46 : memref<80x128xf32, #tpu.memory_space<vmem>>)
      %mul3A_49 = arith.constant 80 : i32
      %mul3A_50 = arith.muli %scan3A_36, %mul3A_49 : i32
      "tpu.region"() ({
        %run_scoped3A = tpu.sem_alloc : memref<!tpu.dma_semaphore, #tpu.memory_space<semaphore_mem>>
        %dma_start3A = arith.constant 0 : i32
        %dma_start3A_51 = tpu.memref_slice %arg5[%mul3A_50, %dma_start3A] : memref<320x128xf32, #tpu.memory_space<vmem>> -> memref<80x128xf32, #tpu.memory_space<vmem>>
        %dma_start3A_52 = arith.constant 0 : i32
        %dma_start3A_53 = tpu.memref_slice %arg6[%scan3A_36, %dma_start3A_52] : memref<4x80xi32, #tpu.memory_space<vmem>> -> memref<1x80xi32, #tpu.memory_space<vmem>>
        %dma_start3A_54 = tpu.memref_squeeze %dma_start3A_53 : memref<1x80xi32, #tpu.memory_space<vmem>> -> memref<80xi32, #tpu.memory_space<vmem>>
        %dma_start3A_55 = arith.constant 0 : i32
        %dma_start3A_56 = arith.constant 0 : i32
        %dma_start3A_57 = tpu.memref_slice %arg8[%dma_start3A_55, %dma_start3A_56] : memref<640x128xf32, #tpu.memory_space<vmem_shared>> -> memref<640x128xf32, #tpu.memory_space<vmem_shared>>
        tpu.enqueue_indirect_dma source(%dma_start3A_51 : memref<80x128xf32, #tpu.memory_space<vmem>>) target(%dma_start3A_57 : memref<640x128xf32, #tpu.memory_space<vmem_shared>>) offsets(%dma_start3A_54 : memref<80xi32, #tpu.memory_space<vmem>>) semaphore(%run_scoped3A : memref<!tpu.dma_semaphore, #tpu.memory_space<semaphore_mem>>) {add = true}
        %dma_wait3A_58 = arith.constant 0 : i32
        %dma_wait3A_59 = tpu.memref_slice %arg5[%mul3A_50, %dma_wait3A_58] : memref<320x128xf32, #tpu.memory_space<vmem>> -> memref<80x128xf32, #tpu.memory_space<vmem>>
        %dma_wait3A_60 = arith.constant 0 : i32
        %dma_wait3A_61 = tpu.memref_slice %arg6[%scan3A_36, %dma_wait3A_60] : memref<4x80xi32, #tpu.memory_space<vmem>> -> memref<1x80xi32, #tpu.memory_space<vmem>>
        %dma_wait3A_62 = tpu.memref_squeeze %dma_wait3A_61 : memref<1x80xi32, #tpu.memory_space<vmem>> -> memref<80xi32, #tpu.memory_space<vmem>>
        %dma_wait3A_63 = arith.constant 0 : i32
        %dma_wait3A_64 = arith.constant 0 : i32
        %dma_wait3A_65 = tpu.memref_slice %arg8[%dma_wait3A_63, %dma_wait3A_64] : memref<640x128xf32, #tpu.memory_space<vmem_shared>> -> memref<640x128xf32, #tpu.memory_space<vmem_shared>>
        tpu.wait_indirect_dma semaphore(%run_scoped3A : memref<!tpu.dma_semaphore, #tpu.memory_space<semaphore_mem>>) src(%dma_wait3A_59 : memref<80x128xf32, #tpu.memory_space<vmem>>) dst(%dma_wait3A_65 : memref<640x128xf32, #tpu.memory_space<vmem_shared>>)
        tpu.yield
      }) : () -> ()
    }
    %scan3A_30 = arith.constant 4 : i32
    %barrier3A_31 = arith.constant 0 : index
    tpu.barrier barrier_id(%barrier3A_31)
    %lt3A = arith.constant 13 : i32
    %lt3A_32 = arith.cmpi slt, %arg1, %lt3A : i32
    %convert_element_type3A_33 = arith.extui %lt3A_32 : i1 to i32
    %cond3A_34 = arith.constant 0 : i32
    %cond3A_35 = arith.cmpi ne, %convert_element_type3A_33, %cond3A_34 : i32
    scf.if %cond3A_35 {
      %mul3A_36 = arith.constant 40 : i32
      %mul3A_37 = arith.muli %arg1, %mul3A_36 : i32
      %mul3A_38 = arith.constant 40 : i32
      %mul3A_39 = arith.muli %arg1, %mul3A_38 : i32
      "tpu.region"() ({
        %run_scoped3A = tpu.sem_alloc : memref<!tpu.dma_semaphore, #tpu.memory_space<semaphore_mem>>
        %dma_start3A = arith.constant 0 : i32
        %dma_start3A_40 = tpu.memref_slice %arg4[%arg0, %mul3A_39, %dma_start3A] : memref<2x520x128xf32, #tpu.memory_space<hbm>> -> memref<1x40x128xf32, #tpu.memory_space<hbm>>
        %dma_start3A_41 = tpu.memref_squeeze %dma_start3A_40 : memref<1x40x128xf32, #tpu.memory_space<hbm>> -> memref<40x128xf32, #tpu.memory_space<hbm>>
        %dma_start3A_42 = arith.constant 0 : i32
        %dma_start3A_43 = tpu.memref_slice %arg8[%mul3A_37, %dma_start3A_42] : memref<640x128xf32, #tpu.memory_space<vmem_shared>> -> memref<40x128xf32, #tpu.memory_space<vmem_shared>>
        tpu.enqueue_dma source(%dma_start3A_43 : memref<40x128xf32, #tpu.memory_space<vmem_shared>>) target(%dma_start3A_41 : memref<40x128xf32, #tpu.memory_space<hbm>>) target_semaphore(%run_scoped3A : memref<!tpu.dma_semaphore, #tpu.memory_space<semaphore_mem>>)
        %dma_wait3A = arith.constant 0 : i32
        %dma_wait3A_44 = tpu.memref_slice %arg4[%arg0, %mul3A_39, %dma_wait3A] : memref<2x520x128xf32, #tpu.memory_space<hbm>> -> memref<1x40x128xf32, #tpu.memory_space<hbm>>
        %dma_wait3A_45 = tpu.memref_squeeze %dma_wait3A_44 : memref<1x40x128xf32, #tpu.memory_space<hbm>> -> memref<40x128xf32, #tpu.memory_space<hbm>>
        %dma_wait3A_46 = arith.constant 0 : i32
        %dma_wait3A_47 = tpu.memref_slice %arg8[%mul3A_37, %dma_wait3A_46] : memref<640x128xf32, #tpu.memory_space<vmem_shared>> -> memref<40x128xf32, #tpu.memory_space<vmem_shared>>
        tpu.wait_dma2 semaphore(%run_scoped3A : memref<!tpu.dma_semaphore, #tpu.memory_space<semaphore_mem>>) src(%dma_wait3A_47 : memref<40x128xf32, #tpu.memory_space<vmem_shared>>) dst(%dma_wait3A_45 : memref<40x128xf32, #tpu.memory_space<hbm>>)
        tpu.yield
      }) : () -> ()
    } else {
    }
    return
  }
}

module attributes {stable_mosaic.version = 14 : i64} {
  func.func @_mlp_body(%arg0: memref<2x520x128xf32, #tpu.memory_space<vmem>>, %arg1: memref<512x1xf32, #tpu.memory_space<vmem>>, %arg2: memref<128x64xf32, #tpu.memory_space<vmem>>, %arg3: memref<1x64xf32, #tpu.memory_space<vmem>>, %arg4: memref<64x2xf32, #tpu.memory_space<vmem>>, %arg5: memref<1x2xf32, #tpu.memory_space<vmem>>, %arg6: memref<512x2xf32, #tpu.memory_space<vmem>>) attributes {dimension_semantics = [], scalar_prefetch = 0 : i64, scratch_operands = 0 : i64, tpu.core_type = #tpu.core_type<tc>} {
    %get3A = arith.constant 0 : index
    %get3A_0 = arith.constant 0 : index
    %get3A_1 = vector.load %arg1[%get3A, %get3A_0] : memref<512x1xf32, #tpu.memory_space<vmem>>, vector<512x1xf32>
    %get3A_2 = arith.constant 0 : index
    %get3A_3 = arith.constant 0 : index
    %get3A_4 = arith.constant 0 : index
    %get3A_5 = vector.load %arg0[%get3A_2, %get3A_3, %get3A_4] : memref<2x520x128xf32, #tpu.memory_space<vmem>>, vector<1x520x128xf32>
    %get3A_6 = vector.shape_cast %get3A_5 : vector<1x520x128xf32> to vector<520x128xf32>
    %get3A_7 = arith.constant 1 : index
    %get3A_8 = arith.constant 0 : index
    %get3A_9 = arith.constant 0 : index
    %get3A_10 = vector.load %arg0[%get3A_7, %get3A_8, %get3A_9] : memref<2x520x128xf32, #tpu.memory_space<vmem>>, vector<1x520x128xf32>
    %get3A_11 = vector.shape_cast %get3A_10 : vector<1x520x128xf32> to vector<520x128xf32>
    %add3A = arith.addf %get3A_6, %get3A_11 : vector<520x128xf32>
    %slice3A = vector.extract_strided_slice %add3A {offsets = [0, 0], sizes = [512, 128], strides = [1, 1]} : vector<520x128xf32> to vector<512x128xf32>
    %gt3A = arith.constant 0.000000e+00 : f32
    %gt3A_12 = vector.broadcast %gt3A : f32 to vector<512x1xf32>
    %gt3A_13 = arith.cmpf ogt, %get3A_1, %gt3A_12 : vector<512x1xf32>
    %max3A = arith.constant 1.000000e+00 : f32
    %max3A_14 = vector.broadcast %max3A : f32 to vector<512x1xf32>
    %max3A_15 = arith.maximumf %get3A_1, %max3A_14 : vector<512x1xf32>
    %div3A = vector.broadcast %max3A_15 : vector<512x1xf32> to vector<512x128xf32>
    %div3A_16 = arith.divf %slice3A, %div3A : vector<512x128xf32>
    %jit3A = arith.constant 0.000000e+00 : f32
    %broadcast_in_dim3A = vector.shape_cast %gt3A_13 : vector<512x1xi1> to vector<512x1xi1>
    %broadcast_in_dim3A_17 = vector.broadcast %broadcast_in_dim3A : vector<512x1xi1> to vector<512x128xi1>
    %broadcast_in_dim3A_18 = vector.broadcast %jit3A : f32 to vector<512x128xf32>
    %select_n3A = arith.select %broadcast_in_dim3A_17, %div3A_16, %broadcast_in_dim3A_18 : vector<512x128xi1>, vector<512x128xf32>
    %get3A_19 = arith.constant 0 : index
    %get3A_20 = arith.constant 0 : index
    %get3A_21 = vector.load %arg2[%get3A_19, %get3A_20] : memref<128x64xf32, #tpu.memory_space<vmem>>, vector<128x64xf32>
    %dot_general3A = arith.constant dense<0.000000e+00> : vector<512x64xf32>
    %dot_general3A_22 = tpu.matmul %select_n3A, %get3A_21, %dot_general3A {dimension_numbers = #tpu.dot_dimension_numbers<[1], [0], [0], [1], [0, 0, 1, 1], [], []>, transpose_lhs_hint = false} : vector<512x128xf32>, vector<128x64xf32>, vector<512x64xf32> -> vector<512x64xf32>
    %get3A_23 = arith.constant 0 : index
    %get3A_24 = arith.constant 0 : index
    %get3A_25 = vector.load %arg3[%get3A_23, %get3A_24] : memref<1x64xf32, #tpu.memory_space<vmem>>, vector<1x64xf32>
    %add3A_26 = vector.broadcast %get3A_25 : vector<1x64xf32> to vector<512x64xf32>
    %add3A_27 = arith.addf %dot_general3A_22, %add3A_26 : vector<512x64xf32>
    %max3A_28 = arith.constant 0.000000e+00 : f32
    %max3A_29 = vector.broadcast %max3A_28 : f32 to vector<512x64xf32>
    %max3A_30 = arith.maximumf %add3A_27, %max3A_29 : vector<512x64xf32>
    %get3A_31 = arith.constant 0 : index
    %get3A_32 = arith.constant 0 : index
    %get3A_33 = vector.load %arg4[%get3A_31, %get3A_32] : memref<64x2xf32, #tpu.memory_space<vmem>>, vector<64x2xf32>
    %dot_general3A_34 = arith.constant dense<0.000000e+00> : vector<512x2xf32>
    %dot_general3A_35 = tpu.matmul %max3A_30, %get3A_33, %dot_general3A_34 {dimension_numbers = #tpu.dot_dimension_numbers<[1], [0], [0], [1], [0, 0, 1, 1], [], []>, transpose_lhs_hint = false} : vector<512x64xf32>, vector<64x2xf32>, vector<512x2xf32> -> vector<512x2xf32>
    %get3A_36 = arith.constant 0 : index
    %get3A_37 = arith.constant 0 : index
    %get3A_38 = vector.load %arg5[%get3A_36, %get3A_37] : memref<1x2xf32, #tpu.memory_space<vmem>>, vector<1x2xf32>
    %add3A_39 = vector.broadcast %get3A_38 : vector<1x2xf32> to vector<512x2xf32>
    %add3A_40 = arith.addf %dot_general3A_35, %add3A_39 : vector<512x2xf32>
    %swap3A = arith.constant 0 : index
    %swap3A_41 = arith.constant 0 : index
    %swap3A_42 = vector.load %arg6[%swap3A, %swap3A_41] : memref<512x2xf32, #tpu.memory_space<vmem>>, vector<512x2xf32>
    tpu.vector_store %arg6[%swap3A, %swap3A_41], %add3A_40 {strides = array<i32>} : memref<512x2xf32, #tpu.memory_space<vmem>>, vector<512x2xf32>,
    return
  }
}

module attributes {stable_mosaic.version = 14 : i64} {
  func.func @_hist_body(%arg0: memref<1x10240xi32, #tpu.memory_space<vmem>>, %arg1: memref<512x1xf32, #tpu.memory_space<vmem>>) attributes {dimension_semantics = [], scalar_prefetch = 0 : i64, scratch_operands = 0 : i64, tpu.core_type = #tpu.core_type<tc>} {
    %get3A = arith.constant 0 : index
    %get3A_0 = arith.constant 0 : index
    %get3A_1 = vector.load %arg0[%get3A, %get3A_0] : memref<1x10240xi32, #tpu.memory_space<vmem>>, vector<1x10240xi32>
    %iota3A = tpu.iota {dimensions = array<i32: 0>} : vector<32x1xi32>
    %jit3A = arith.constant 16 : i32
    %div3A = vector.broadcast %jit3A : i32 to vector<1x10240xi32>
    %div3A_2 = arith.divsi %get3A_1, %div3A : vector<1x10240xi32>
    %sign3A = arith.constant 0 : i32
    %sign3A_3 = vector.broadcast %sign3A : i32 to vector<1x10240xi32>
    %sign3A_4 = arith.cmpi sgt, %get3A_1, %sign3A_3 : vector<1x10240xi32>
    %sign3A_5 = arith.extui %sign3A_4 : vector<1x10240xi1> to vector<1x10240xi32>
    %sign3A_6 = arith.constant 0 : i32
    %sign3A_7 = vector.broadcast %sign3A_6 : i32 to vector<1x10240xi32>
    %sign3A_8 = arith.cmpi slt, %get3A_1, %sign3A_7 : vector<1x10240xi32>
    %sign3A_9 = arith.extui %sign3A_8 : vector<1x10240xi1> to vector<1x10240xi32>
    %sign3A_10 = arith.subi %sign3A_5, %sign3A_9 : vector<1x10240xi32>
    %sign3A_11 = arith.constant 0 : i32
    %sign3A_12 = arith.cmpi sgt, %jit3A, %sign3A_11 : i32
    %sign3A_13 = arith.extui %sign3A_12 : i1 to i32
    %sign3A_14 = arith.constant 0 : i32
    %sign3A_15 = arith.cmpi slt, %jit3A, %sign3A_14 : i32
    %sign3A_16 = arith.extui %sign3A_15 : i1 to i32
    %sign3A_17 = arith.subi %sign3A_13, %sign3A_16 : i32
    %ne3A = vector.broadcast %sign3A_17 : i32 to vector<1x10240xi32>
    %ne3A_18 = arith.cmpi ne, %sign3A_10, %ne3A : vector<1x10240xi32>
    %rem3A = vector.broadcast %jit3A : i32 to vector<1x10240xi32>
    %rem3A_19 = arith.remsi %get3A_1, %rem3A : vector<1x10240xi32>
    %ne3A_20 = arith.constant 0 : i32
    %ne3A_21 = vector.broadcast %ne3A_20 : i32 to vector<1x10240xi32>
    %ne3A_22 = arith.cmpi ne, %rem3A_19, %ne3A_21 : vector<1x10240xi32>
    %and3A = arith.andi %ne3A_18, %ne3A_22 : vector<1x10240xi1>
    %sub3A = arith.constant 1 : i32
    %sub3A_23 = vector.broadcast %sub3A : i32 to vector<1x10240xi32>
    %sub3A_24 = arith.subi %div3A_2, %sub3A_23 : vector<1x10240xi32>
    %select_n3A = arith.select %and3A, %sub3A_24, %div3A_2 : vector<1x10240xi1>, vector<1x10240xi32>
    %eq3A = vector.broadcast %iota3A : vector<32x1xi32> to vector<32x10240xi32>
    %eq3A_25 = vector.broadcast %select_n3A : vector<1x10240xi32> to vector<32x10240xi32>
    %eq3A_26 = arith.cmpi eq, %eq3A, %eq3A_25 : vector<32x10240xi32>
    %convert_element_type3A = arith.extui %eq3A_26 : vector<32x10240xi1> to vector<32x10240xi32>
    %convert_element_type3A_27 = arith.sitofp %convert_element_type3A : vector<32x10240xi32> to vector<32x10240xf32>
    %iota3A_28 = tpu.iota {dimensions = array<i32: 0>} : vector<16x1xi32>
    %jit3A_29 = arith.constant 16 : i32
    %div3A_30 = vector.broadcast %jit3A_29 : i32 to vector<1x10240xi32>
    %div3A_31 = arith.divsi %get3A_1, %div3A_30 : vector<1x10240xi32>
    %sign3A_32 = arith.constant 0 : i32
    %sign3A_33 = vector.broadcast %sign3A_32 : i32 to vector<1x10240xi32>
    %sign3A_34 = arith.cmpi sgt, %get3A_1, %sign3A_33 : vector<1x10240xi32>
    %sign3A_35 = arith.extui %sign3A_34 : vector<1x10240xi1> to vector<1x10240xi32>
    %sign3A_36 = arith.constant 0 : i32
    %sign3A_37 = vector.broadcast %sign3A_36 : i32 to vector<1x10240xi32>
    %sign3A_38 = arith.cmpi slt, %get3A_1, %sign3A_37 : vector<1x10240xi32>
    %sign3A_39 = arith.extui %sign3A_38 : vector<1x10240xi1> to vector<1x10240xi32>
    %sign3A_40 = arith.subi %sign3A_35, %sign3A_39 : vector<1x10240xi32>
    %sign3A_41 = arith.constant 0 : i32
    %sign3A_42 = arith.cmpi sgt, %jit3A_29, %sign3A_41 : i32
    %sign3A_43 = arith.extui %sign3A_42 : i1 to i32
    %sign3A_44 = arith.constant 0 : i32
    %sign3A_45 = arith.cmpi slt, %jit3A_29, %sign3A_44 : i32
    %sign3A_46 = arith.extui %sign3A_45 : i1 to i32
    %sign3A_47 = arith.subi %sign3A_43, %sign3A_46 : i32
    %ne3A_48 = vector.broadcast %sign3A_47 : i32 to vector<1x10240xi32>
    %ne3A_49 = arith.cmpi ne, %sign3A_40, %ne3A_48 : vector<1x10240xi32>
    %rem3A_50 = vector.broadcast %jit3A_29 : i32 to vector<1x10240xi32>
    %rem3A_51 = arith.remsi %get3A_1, %rem3A_50 : vector<1x10240xi32>
    %ne3A_52 = arith.constant 0 : i32
    %ne3A_53 = vector.broadcast %ne3A_52 : i32 to vector<1x10240xi32>
    %ne3A_54 = arith.cmpi ne, %rem3A_51, %ne3A_53 : vector<1x10240xi32>
    %and3A_55 = arith.andi %ne3A_49, %ne3A_54 : vector<1x10240xi1>
    %sub3A_56 = arith.constant 1 : i32
    %sub3A_57 = vector.broadcast %sub3A_56 : i32 to vector<1x10240xi32>
    %sub3A_58 = arith.subi %div3A_31, %sub3A_57 : vector<1x10240xi32>
    %select_n3A_59 = arith.select %and3A_55, %sub3A_58, %div3A_31 : vector<1x10240xi1>, vector<1x10240xi32>
    %mul3A = arith.constant 16 : i32
    %mul3A_60 = vector.broadcast %mul3A : i32 to vector<1x10240xi32>
    %mul3A_61 = arith.muli %select_n3A_59, %mul3A_60 : vector<1x10240xi32>
    %sub3A_62 = arith.subi %get3A_1, %mul3A_61 : vector<1x10240xi32>
    %eq3A_63 = vector.broadcast %iota3A_28 : vector<16x1xi32> to vector<16x10240xi32>
    %eq3A_64 = vector.broadcast %sub3A_62 : vector<1x10240xi32> to vector<16x10240xi32>
    %eq3A_65 = arith.cmpi eq, %eq3A_63, %eq3A_64 : vector<16x10240xi32>
    %convert_element_type3A_66 = arith.extui %eq3A_65 : vector<16x10240xi1> to vector<16x10240xi32>
    %convert_element_type3A_67 = arith.sitofp %convert_element_type3A_66 : vector<16x10240xi32> to vector<16x10240xf32>
    %dot_general3A = arith.constant dense<0.000000e+00> : vector<32x16xf32>
    %dot_general3A_68 = tpu.matmul %convert_element_type3A_27, %convert_element_type3A_67, %dot_general3A {dimension_numbers = #tpu.dot_dimension_numbers<[1], [1], [0], [0], [0, 0, 1, 0], [], []>, transpose_lhs_hint = false} : vector<32x10240xf32>, vector<16x10240xf32>, vector<32x16xf32> -> vector<32x16xf32>
    %iota3A_69 = tpu.iota {dimensions = array<i32: 0>} : vector<512x1xi32>
    %jit3A_70 = arith.constant 16 : i32
    %div3A_71 = vector.broadcast %jit3A_70 : i32 to vector<512x1xi32>
    %div3A_72 = arith.divsi %iota3A_69, %div3A_71 : vector<512x1xi32>
    %sign3A_73 = arith.constant 0 : i32
    %sign3A_74 = vector.broadcast %sign3A_73 : i32 to vector<512x1xi32>
    %sign3A_75 = arith.cmpi sgt, %iota3A_69, %sign3A_74 : vector<512x1xi32>
    %sign3A_76 = arith.extui %sign3A_75 : vector<512x1xi1> to vector<512x1xi32>
    %sign3A_77 = arith.constant 0 : i32
    %sign3A_78 = vector.broadcast %sign3A_77 : i32 to vector<512x1xi32>
    %sign3A_79 = arith.cmpi slt, %iota3A_69, %sign3A_78 : vector<512x1xi32>
    %sign3A_80 = arith.extui %sign3A_79 : vector<512x1xi1> to vector<512x1xi32>
    %sign3A_81 = arith.subi %sign3A_76, %sign3A_80 : vector<512x1xi32>
    %sign3A_82 = arith.constant 0 : i32
    %sign3A_83 = arith.cmpi sgt, %jit3A_70, %sign3A_82 : i32
    %sign3A_84 = arith.extui %sign3A_83 : i1 to i32
    %sign3A_85 = arith.constant 0 : i32
    %sign3A_86 = arith.cmpi slt, %jit3A_70, %sign3A_85 : i32
    %sign3A_87 = arith.extui %sign3A_86 : i1 to i32
    %sign3A_88 = arith.subi %sign3A_84, %sign3A_87 : i32
    %ne3A_89 = vector.broadcast %sign3A_88 : i32 to vector<512x1xi32>
    %ne3A_90 = arith.cmpi ne, %sign3A_81, %ne3A_89 : vector<512x1xi32>
    %rem3A_91 = vector.broadcast %jit3A_70 : i32 to vector<512x1xi32>
    %rem3A_92 = arith.remsi %iota3A_69, %rem3A_91 : vector<512x1xi32>
    %ne3A_93 = arith.constant 0 : i32
    %ne3A_94 = vector.broadcast %ne3A_93 : i32 to vector<512x1xi32>
    %ne3A_95 = arith.cmpi ne, %rem3A_92, %ne3A_94 : vector<512x1xi32>
    %and3A_96 = arith.andi %ne3A_90, %ne3A_95 : vector<512x1xi1>
    %sub3A_97 = arith.constant 1 : i32
    %sub3A_98 = vector.broadcast %sub3A_97 : i32 to vector<512x1xi32>
    %sub3A_99 = arith.subi %div3A_72, %sub3A_98 : vector<512x1xi32>
    %select_n3A_100 = arith.select %and3A_96, %sub3A_99, %div3A_72 : vector<512x1xi1>, vector<512x1xi32>
    %iota3A_101 = tpu.iota {dimensions = array<i32: 1>} : vector<1x32xi32>
    %eq3A_102 = vector.broadcast %select_n3A_100 : vector<512x1xi32> to vector<512x32xi32>
    %eq3A_103 = vector.broadcast %iota3A_101 : vector<1x32xi32> to vector<512x32xi32>
    %eq3A_104 = arith.cmpi eq, %eq3A_102, %eq3A_103 : vector<512x32xi32>
    %convert_element_type3A_105 = arith.extui %eq3A_104 : vector<512x32xi1> to vector<512x32xi32>
    %convert_element_type3A_106 = arith.sitofp %convert_element_type3A_105 : vector<512x32xi32> to vector<512x32xf32>
    %jit3A_107 = arith.constant 16 : i32
    %div3A_108 = vector.broadcast %jit3A_107 : i32 to vector<512x1xi32>
    %div3A_109 = arith.divsi %iota3A_69, %div3A_108 : vector<512x1xi32>
    %sign3A_110 = arith.constant 0 : i32
    %sign3A_111 = vector.broadcast %sign3A_110 : i32 to vector<512x1xi32>
    %sign3A_112 = arith.cmpi sgt, %iota3A_69, %sign3A_111 : vector<512x1xi32>
    %sign3A_113 = arith.extui %sign3A_112 : vector<512x1xi1> to vector<512x1xi32>
    %sign3A_114 = arith.constant 0 : i32
    %sign3A_115 = vector.broadcast %sign3A_114 : i32 to vector<512x1xi32>
    %sign3A_116 = arith.cmpi slt, %iota3A_69, %sign3A_115 : vector<512x1xi32>
    %sign3A_117 = arith.extui %sign3A_116 : vector<512x1xi1> to vector<512x1xi32>
    %sign3A_118 = arith.subi %sign3A_113, %sign3A_117 : vector<512x1xi32>
    %sign3A_119 = arith.constant 0 : i32
    %sign3A_120 = arith.cmpi sgt, %jit3A_107, %sign3A_119 : i32
    %sign3A_121 = arith.extui %sign3A_120 : i1 to i32
    %sign3A_122 = arith.constant 0 : i32
    %sign3A_123 = arith.cmpi slt, %jit3A_107, %sign3A_122 : i32
    %sign3A_124 = arith.extui %sign3A_123 : i1 to i32
    %sign3A_125 = arith.subi %sign3A_121, %sign3A_124 : i32
    %ne3A_126 = vector.broadcast %sign3A_125 : i32 to vector<512x1xi32>
    %ne3A_127 = arith.cmpi ne, %sign3A_118, %ne3A_126 : vector<512x1xi32>
    %rem3A_128 = vector.broadcast %jit3A_107 : i32 to vector<512x1xi32>
    %rem3A_129 = arith.remsi %iota3A_69, %rem3A_128 : vector<512x1xi32>
    %ne3A_130 = arith.constant 0 : i32
    %ne3A_131 = vector.broadcast %ne3A_130 : i32 to vector<512x1xi32>
    %ne3A_132 = arith.cmpi ne, %rem3A_129, %ne3A_131 : vector<512x1xi32>
    %and3A_133 = arith.andi %ne3A_127, %ne3A_132 : vector<512x1xi1>
    %sub3A_134 = arith.constant 1 : i32
    %sub3A_135 = vector.broadcast %sub3A_134 : i32 to vector<512x1xi32>
    %sub3A_136 = arith.subi %div3A_109, %sub3A_135 : vector<512x1xi32>
    %select_n3A_137 = arith.select %and3A_133, %sub3A_136, %div3A_109 : vector<512x1xi1>, vector<512x1xi32>
    %mul3A_138 = arith.constant 16 : i32
    %mul3A_139 = vector.broadcast %mul3A_138 : i32 to vector<512x1xi32>
    %mul3A_140 = arith.muli %select_n3A_137, %mul3A_139 : vector<512x1xi32>
    %sub3A_141 = arith.subi %iota3A_69, %mul3A_140 : vector<512x1xi32>
    %iota3A_142 = tpu.iota {dimensions = array<i32: 1>} : vector<1x16xi32>
    %eq3A_143 = vector.broadcast %sub3A_141 : vector<512x1xi32> to vector<512x16xi32>
    %eq3A_144 = vector.broadcast %iota3A_142 : vector<1x16xi32> to vector<512x16xi32>
    %eq3A_145 = arith.cmpi eq, %eq3A_143, %eq3A_144 : vector<512x16xi32>
    %convert_element_type3A_146 = arith.extui %eq3A_145 : vector<512x16xi1> to vector<512x16xi32>
    %convert_element_type3A_147 = arith.sitofp %convert_element_type3A_146 : vector<512x16xi32> to vector<512x16xf32>
    %dot_general3A_148 = arith.constant dense<0.000000e+00> : vector<512x16xf32>
    %dot_general3A_149 = tpu.matmul %convert_element_type3A_106, %dot_general3A_68, %dot_general3A_148 {dimension_numbers = #tpu.dot_dimension_numbers<[1], [0], [0], [1], [0, 0, 1, 1], [], []>, transpose_lhs_hint = false} : vector<512x32xf32>, vector<32x16xf32>, vector<512x16xf32> -> vector<512x16xf32>
    %mul3A_150 = arith.mulf %dot_general3A_149, %convert_element_type3A_147 : vector<512x16xf32>
    %reduce_sum3A = arith.constant dense<0.000000e+00> : vector<512xf32>
    %reduce_sum3A_151 = vector.multi_reduction <add>, %mul3A_150, %reduce_sum3A [1] : vector<512x16xf32> to vector<512xf32>
    %broadcast_in_dim3A = vector.shape_cast %reduce_sum3A_151 : vector<512xf32> to vector<512x1xf32>
    %swap3A = arith.constant 0 : index
    %swap3A_152 = arith.constant 0 : index
    %swap3A_153 = vector.load %arg1[%swap3A, %swap3A_152] : memref<512x1xf32, #tpu.memory_space<vmem>>, vector<512x1xf32>
    tpu.vector_store %arg1[%swap3A, %swap3A_152], %broadcast_in_dim3A {strides = array<i32>} : memref<512x1xf32, #tpu.memory_space<vmem>>, vector<512x1xf32>,
    return
  }
}

</mosaic_0001>

<sc_bundles>
// kernel: kernel.5.cloned.1.call-start
scs
__scs_entry_jumppad:
0x0: {  	(pc) =	sbr.rel $0x88, $3  }
0x1: {  	(tag) =	ssettag $0x0;
	lr =	simm.s32 $0x1  }
0x2: {  	[smem:$0x3F9B] =	sst lr;
	_ =	strace $0xD0000000  }
0x3: {  	_ = 	snop  }
0x4: {  	_ = 	snop  }
0x5: {  	_ = 	snop  }
0x6: {  	_ = 	snop  }
0x7: {  	_ = 	snop  }
__scs_overlays_trampoline_lowered:
0x8: {  	[smem:$0x3FAA] =	sst s0  }
0x9: {  	[smem:$0x3FAB] =	sst s1  }
0xa: {  	[smem:$0x3FAC] =	sst s2  }
0xb: {  	[smem:$0x3FAD] =	sst s3  }
0xc: {  	[smem:$0x3FAE] =	sst s4  }
0xd: {  	[smem:$0x3FAF] =	sst s5  }
0xe: {  	[smem:$0x3FB0] =	sst s6  }
0xf: {  	[smem:$0x3FB1] =	sst s7  }
0x10: {  	[smem:$0x3FB2] =	sst s8  }
0x11: {  	[smem:$0x3FB3] =	sst s9;
	s0 =	simm.s32 @!p0 $0x0  }
0x12: {  	s1 =	sld [smem:$0x3F99];
	s0 =	simm.s32 @p0 $0x1  }
0x13: {  	[smem:$0x3FB4] =	sst s0;
	s0 =	simm.s32 @!p1 $0x0  }
0x14: {  	s2 =	sld [smem:$0x3F98];
	s0 =	simm.s32 @p1 $0x1  }
0x15: {  	[smem:$0x3FB5] =	sst s0;
	s0 =	simm.s32 @!p2 $0x0  }
0x16: {  	s3 =	sld [smem:$0x3FDB];
	s0 =	simm.s32 @p2 $0x1  }
0x17: {  	s4 =	simm.s32 $0x1BF5;
	[smem:$0x3FB7] =	sst s0  }
0x18: {  	s0 =	sld [smem:$0x3F9A];
	_ =	swait.ge [sflag:s4], $0x0  }
0x19: {  	s7 =	sld [smem:$0x3F9B]  }
0x1a: {  	s8 =	sadd.s32 $0xFFFFE003, lr  }
0x1b: {  	s9 =	sadd.s32 $0xFFFFFEF7, lr;
	s5 =	simm.s32 $0xFFFFFFFF;
	p2 =	slt.u32 s8, $0xFFFFF086  }
0x1c: {  	p1 =	slt.u32 s9, $0xF7A;
	s5 =	simm.s32 @!p2 $0x0  }
0x1d: {  	s5 =	simm.s32 @p1 $0x1;
	p0 =	seq.s32 s7, s2  }
0x1e: {  	s7 =	smul.u32 @!p0 $0xF7A, s2;
	p2 =	seq.s32 @!p0 s5, $0x0  }
0x1f: {  	s9 =	smul.u32 $0xF7A, s1;
	s8 =	simm.s32 @!p0 $0x1BF5;
	p2 =	por !p2, p0  }
0x20: {  	[sflag:s8] =	ssyncset.s32 @!p0 $0xFFFFF086;
	s6 =	sadd.s32 @!p0 s3, s7;
	s7 =	simm.s32 @!p0 $0x108  }
0x21: {  	s3 =	sadd.s32 s3, s9;
	s6 =	sadd.s32 @!p0 $0x88, s6;
	s7 =	simm.s32 @p2 $0x1082  }
0x22: {  	[simem:s7], [sflag:s8] =	dma.local @!p0 [hbm:s6], $0xF7A  }
0x23: {  	s9 =	sor.u32 $0xD0000000, s2;
	s6 =	simm.s32 $0x108;
	_ =	swait.ge @!p0 [sflag:s8], $0x0  }
0x24: {  	s3 =	sadd.s32 $0x88, s3;
	s6 =	simm.s32 @!p1 $0x1082;
	[sflag:s4] =	ssyncset.s32 $0xFFFFF086  }
0x25: {  	[simem:s6], [sflag:s4] =	dma.local [hbm:s3], $0xF7A  }
0x26: {  	[smem:$0x3F9B] =	sst s1;
	(tag) =	ssettag s2;
	_ =	strace s9  }
0x27: {  	s1 =	sld [smem:$0x3FAB]  }
0x28: {  	s2 =	sld [smem:$0x3FAC]  }
0x29: {  	s4 =	sld [smem:$0x3FAE]  }
0x2a: {  	p0 =	seq.s32 s5, $0x0;
	s5 =	sld [smem:$0x3FAF]  }
0x2b: {  	s6 =	sld [smem:$0x3FB0]  }
0x2c: {  	s7 =	sld [smem:$0x3FB1]  }
0x2d: {  	s3 =	simm.s32 $0x108;
	s8 =	sld [smem:$0x3FB2]  }
0x2e: {  	s3 =	simm.s32 @!p0 $0x1082;
	s9 =	sld [smem:$0x3FB3]  }
0x2f: {  	lr =	sadd.s32 s0, s3;
	s0 =	sld [smem:$0x3FAA]  }
0x30: {  	s3 =	sld [smem:$0x3FAD]  }
0x31: {  	[smem:$0x3FB6] =	sst s10  }
0x32: {  	s10 =	sld [smem:$0x3FB4];
	_ =	sdelay $0x3  }
0x33: {  	p0 =	seq.s32 s10, $0x1;
	s10 =	sld [smem:$0x3FB6];
	_ =	sdelay $0x3  }
0x34: {  	[smem:$0x3FB6] =	sst s10  }
0x35: {  	s10 =	sld [smem:$0x3FB5];
	_ =	sdelay $0x3  }
0x36: {  	p1 =	seq.s32 s10, $0x1;
	s10 =	sld [smem:$0x3FB6];
	_ =	sdelay $0x3  }
0x37: {  	[smem:$0x3FB6] =	sst s10  }
0x38: {  	s10 =	sld [smem:$0x3FB7]  }
0x39: {  	_ = 	snop;
	(pc) =	sbr.ind lr, $3  }
0x3a: {  	_ = 	snop  }
0x3b: {  	_ = 	snop  }
0x3c: {  	p2 =	seq.s32 s10, $0x1;
	s10 =	sld [smem:$0x3FB6]  }
0x3d: {  	_ =	shalt  }
0x3e: {  	_ =	shalt  }
0x3f: {  	_ =	shalt  }
0x40: {  	_ =	shalt  }
0x41: {  	_ =	shalt  }
0x42: {  	_ =	shalt  }
0x43: {  	_ =	shalt  }
0x44: {  	_ =	shalt  }
0x45: {  	_ =	shalt  }
0x46: {  	_ =	shalt  }
0x47: {  	_ =	shalt  }
0x48: {  	_ =	shalt  }
0x49: {  	_ =	shalt  }
0x4a: {  	_ =	shalt  }
0x4b: {  	_ =	shalt  }
0x4c: {  	_ =	shalt  }
0x4d: {  	_ =	shalt  }
0x4e: {  	_ =	shalt  }
0x4f: {  	_ =	shalt  }
0x50: {  	_ =	shalt  }
0x51: {  	_ =	shalt  }
0x52: {  	_ =	shalt  }
0x53: {  	_ =	shalt  }
0x54: {  	_ =	shalt  }
0x55: {  	_ =	shalt  }
0x56: {  	_ =	shalt  }
0x57: {  	_ =	shalt  }
0x58: {  	_ =	shalt  }
0x59: {  	_ =	shalt  }
0x5a: {  	_ =	shalt  }
0x5b: {  	_ =	shalt  }
0x5c: {  	_ =	shalt  }
0x5d: {  	_ =	shalt  }
0x5e: {  	_ =	shalt  }
0x5f: {  	_ =	shalt  }
0x60: {  	_ =	shalt  }
0x61: {  	_ =	shalt  }
0x62: {  	_ =	shalt  }
0x63: {  	_ =	shalt  }
0x64: {  	_ =	shalt  }
0x65: {  	_ =	shalt  }
0x66: {  	_ =	shalt  }
0x67: {  	_ =	shalt  }
0x68: {  	_ =	shalt  }
0x69: {  	_ =	shalt  }
0x6a: {  	_ =	shalt  }
0x6b: {  	_ =	shalt  }
0x6c: {  	_ =	shalt  }
0x6d: {  	_ =	shalt  }
0x6e: {  	_ =	shalt  }
0x6f: {  	_ =	shalt  }
0x70: {  	_ =	shalt  }
0x71: {  	_ =	shalt  }
0x72: {  	_ =	shalt  }
0x73: {  	_ =	shalt  }
0x74: {  	_ =	shalt  }
0x75: {  	_ =	shalt  }
0x76: {  	_ =	shalt  }
0x77: {  	_ =	shalt  }
0x78: {  	_ =	shalt  }
0x79: {  	_ =	shalt  }
0x7a: {  	_ =	shalt  }
0x7b: {  	_ =	shalt  }
0x7c: {  	_ =	shalt  }
0x7d: {  	_ =	shalt  }
0x7e: {  	_ =	shalt  }
0x7f: {  	_ =	shalt  }
0x80: {  	_ =	shalt  }
0x81: {  	_ =	shalt  }
0x82: {  	_ =	shalt  }
0x83: {  	_ =	shalt  }
0x84: {  	_ =	shalt  }
0x85: {  	_ =	shalt  }
0x86: {  	_ =	shalt  }
0x87: {  	_ =	shalt  }
.Lfunc_end0:
.L_simem_size_0:
called_computation_lowered:
.L_overlay_start_0:
0x88: {  	s2 =	sld [smem:$0x3FD9]  }
0x89: {  	s3 =	sld [smem:$0x3FFE];
	_ =	sdelay $0x1  }
0x8a: {  	s1 =	srdreg.scid  }
0x8b: {  	s0 =	sand.u32 $0x1, s1  }
0x8c: {  	s17 =	sshll.u32 s0, $0xA;
	s2 =	sadd.s32 s3, s2  }
0x8d: {  	s2 =	sadd.s32 s2, s17  }
0x8e: {  	[smem:$0x3FC2] =	sst s2  }
0x8f: {  	_ = 	snop  }
0x90: {  	s2 =	sld [smem:$0x3FC9]  }
0x91: {  	s18 =	sld [smem:$0x3FC8];
	(tm) =	ssettm $0x1  }
0x92: {  	s4 =	sld [smem:$0x3FFB];
	_ =	sdelay $0x3  }
0x93: {  	_ =	strace s4  }
0x94: {  	s4 =	sld [smem:$0x3FFC];
	_ =	sdelay $0x3  }
0x95: {  	_ =	strace s4  }
0x96: {  	s4 =	sld [smem:$0x3FFD];
	_ =	sdelay $0x3  }
0x97: {  	_ =	strace s4  }
0x98: {  	_ =	strace $0x8FFFFFFF  }
0x99: {  	s19 =	sld [smem:$0x3FDB];
	_ =	sdelay $0x1  }
0x9a: {  	s5 =	simm.s32 $_scs_section_size  }
0x9b: {  	s6 =	simm.s32 $_size__tile_overlayer_lowered;
	s7 =	simm.s32 $_tile_overlayer_lowered  }
0x9c: {  	s22 =	simm.s32 $0x1BFF;
	s21 =	sshll.u32 s7, $0x1;
	s4 =	sadd.s32 s5, s19  }
0x9d: {  	s8 =	simm.s32 $0x0;
	s20 =	sshll.u32 s6, $0x1;
	s6 =	sadd.s32 s21, s4  }
0x9e: {  	[timem:s8], [sflag:s22] =	dma.local [hbm:s6], s20  }
0x9f: {  	_ =	swait.ge [sflag:s22], s20  }
0xa0: {  	s5 =	ssub.s32 $0x0, s20;
	[sflag:s22] =	ssyncset.done $0x0  }
0xa1: {  	[sflag:s22] =	ssyncadd.s32 s5;
	_ =	sdelay $0x1  }
0xa2: {  	s23 =	simm.s32 $0x1B8B  }
0xa3: {  	_ =	swait.ge [sflag:s23], $0x1  }
0xa4: {  	[sflag:s23] =	ssyncset.done $0x0  }
0xa5: {  	s25 =	simm.s32 $0x1B8E;
	s24 =	sld [smem:$0x3FFE];
	[sflag:s23] =	ssyncadd.s32 $0xFFFFFFFF  }
0xa6: {  	s26 =	simm.s32 $execute0_lowered;
	[smem:$0x3FD2] =	sst s25  }
0xa7: {  	s6 =	sshll.u32 s26, $0x1;
	_ =	strace $0x80000046;
	[dreg:$0x1] =	wrdreg $0xFFFFFFFF  }
0xa8: {  	s28 =	simm.s32 $_size_execute0_lowered;
	s4 =	sadd.s32 s4, s6;
	[dreg:$0x0] =	wrdreg $0x0  }
0xa9: {  	s6 =	sshll.u32 s28, $0x1;
	[dreg:$0x2] =	wrdreg s4  }
0xaa: {  	[dreg:$0x3] =	wrdreg s6  }
0xab: {  	[dreg:$0x4] =	wrdreg $0xC0  }
0xac: {  	_ =	task [dreg:s8], $0x5FFFF  }
0xad: {  	[dreg:$0x1] =	wrdreg $0xFFFFFFFF  }
0xae: {  	[dreg:$0x0] =	wrdreg $0x60  }
0xaf: {  	[dreg:$0x2] =	wrdreg s2  }
0xb0: {  	[dreg:$0x3] =	wrdreg s18  }
0xb1: {  	[dreg:$0x4] =	wrdreg s24  }
0xb2: {  	[dreg:$0x5] =	wrdreg $0xB6000  }
0xb3: {  	[dreg:$0x6] =	wrdreg $0x9  }
0xb4: {  	_ =	task.clear_ibuf [dreg:s8], $0x7FFFF;
	_ =	strace $0x90000046  }
0xb5: {  	s29 =	simm.s32 $0x9;
	_ =	strace $0x80000048  }
0xb6: {  	_ =	swait.ge [sflag:s29], $0x1  }
0xb7: {  	[sflag:s29] =	ssyncadd.s32 $0xFFFFFFFF  }
0xb8: {  	_ =	strace $0x90000048  }
0xb9: {  	_ =	sfence  }
0xba: {  	s30 =	sld [smem:$0x0];
	_ =	sdelay $0x2  }
0xbb: {  	s31 =	sshll.u32 s1, $0xD;
	s1 =	sshrl.u32 s1, $0x2  }
0xbc: {  	s3 =	sand.u32 $0x4000, s31;
	s1 =	sadd.s32 s1, s30  }
0xbd: {  	s0 =	sor.u32 s3, s0;
	s1 =	sshll.u32 s1, $0x11  }
0xbe: {  	s0 =	sor.u32 s1, s0  }
0xbf: {  	s0 =	sadd.s32 $0x8F2B, s0  }
0xc0: {  	[sflag:s0] =	ssyncadd.remote.s32 $0x1  }
0xc1: {  	_ =	sfence.sel $0xFFFF  }
0xc2: {  	[dreg:$0x0] =	wrdreg $0xFFFFFFFF;
	(pc) =	sbr.abs _section_cstart, $3  }
0xc3: {  	[dreg:$0x1] =	wrdreg $0xFFFFFFFF  }
0xc4: {  	_ =	task.clear_ibuf [dreg:s8], $0x2FFFF;
	_ =	strace $0x9FFFFFFF  }
0xc5: {  	(tm) =	ssettm $0x7FFFFFFF  }
tec
execute0_lowered:
.L_overlay_start_1:
0x0: {  	(tag) =	ssettag $0x1  }
0x1: {  	s0 =	rddreg [dreg:$0x0]  }
0x2: {  	s14 =	rddreg [dreg:$0x1]  }
0x3: {  	s4 =	rddreg [dreg:$0x2]  }
0x4: {  	s1 =	rddreg [dreg:$0x3];
	s2 =	srdreg.scid;
	s3 =	simm.s32 $0x0  }
0x5: {  	s24 =	stileid.u32;
	s17 =	simm.s32 $0xA080;
	s18 =	simm.s32 $0x5000  }
0x6: {  	s19 =	simm.s32 $0xA100;
	s20 =	simm.s32 $0x7800;
	s21 =	simm.s32 $0xA180  }
0x7: {  	s23 =	simm.s32 $0x3;
	s28 =	simm.s32 $0x0;
	s7 =	smul.u32 $0x1400, s24  }
0x8: {  	s5 =	sand.u32 $0x1, s2;
	[smem:$0x7FF] =	sst s3;
	s25 =	smul.u32 $0x5000, s24  }
0x9: {  	s6 =	smul.u32 $0x10400, s5;
	s8 =	sshll.u32 s5, $0x4;
	s5 =	ssub.s32 $0x2, s5  }
0xa: {  	_ =	strace $0x80000047;
	s22 =	sor.u32 s24, s8;
	s26 =	sshrl.u32 s5, $0x1  }
0xb: {  	s24 =	simm.s32 $0x2;
	s6 =	sadd.s32 s7, s6;
	s8 =	smul.u32 $0x140, s22  }
0xc: {  	s7 =	sshrl.u32 s25, $0x2;
	s9 =	ssub.s32 s5, s26;
	s5 =	stileid.u32  }
0xd: {  	p0 =	sne.s32 s22, $0x1F;
	s25 =	simm.s32 $0x1;
	s6 =	sshrl.u32 s6, $0x3  }
0xe: {  	s26 =	simm.s32 $0x50;
	p1 =	sgt.u32 s5, $0xC;
	s6 =	sadd.s32 s6, s4  }
0xf: {  	s12 =	smin.u32 s8, $0x25D0;
	s4 =	sadd.s32 s7, s1;
	s29 =	sadd.s32 $0x1000, s6  }
0x10: {  	s6 =	smax.u32 s9, $0x1;
	s30 =	sshll.u32 s12, $0x4;
	s8 =	sshrl.u32 s12, $0x3  }
0x11: {  	s10 =	sadd.s32 $0x50, s12;
	s13 =	sadd.s32 $0xA0, s12;
	s12 =	sadd.s32 $0xF0, s12  }
0x12: {  	[dreg:$0x5] =	wrdreg s29;
	s7 =	sadd.s32 s0, s30;
	s8 =	sadd.s32 s14, s8  }
.Ltmp0:
0x13: {  	s31 =	sshll.u32 s10, $0x4;
	s10 =	sshrl.u32 s10, $0x3;
	(pc) =	sbr.rel .LBB2_1-.Ltmp0, $4  }
0x14: {  	s11 =	sshll.u32 s13, $0x4;
	s13 =	sshrl.u32 s13, $0x3;
	s15 =	sshll.u32 s12, $0x4  }
0x15: {  	s16 =	sshrl.u32 s12, $0x3;
	s9 =	sadd.s32 s0, s31;
	s10 =	sadd.s32 s14, s10  }
0x16: {  	s11 =	sadd.s32 s0, s11;
	s12 =	sadd.s32 s14, s13;
	s13 =	sadd.s32 s0, s15  }
0x17: {  	v0 =	vimm.f32 $0.0e+00;
	v1 =	vimm.s32 $0x200;
	s14 =	sadd.s32 s14, s16;
	s15 =	simm.s32 $0xA000;
	s16 =	simm.s32 $0x2800  }
.LBB2_6:
0x18: {  	s0 =	ssub.s32 s31, s0  }
0x19: {  	s2 =	sshrl.u32 s29, $0x3;
	s0 =	sand.u32 $0xFF, s0  }
0x1a: {  	s2 =	sand.u32 $0x1F80, s2;
	s0 =	sshll.u32 s0, $0x4  }
0x1b: {  	s0 =	sor.u32 s0, s2  }
0x1c: {  	s5 =	stileid.u32;
	[tilespmem:s0+$0xA000] =	vst v1  }
.LBB2_7:
0x1d: {  	[bflag:$0x0] =	sbarrier.arrive $0xFFFF  }
0x1e: {  	_ =	swait.ge [sflag:s25], $0x2800  }
0x1f: {  	[sflag:s25] =	ssyncset.done $0x0  }
0x20: {  	[sflag:s25] =	ssyncadd.s32 $0xFFFFD800  }
0x21: {  	[spmem:s1] =	stream.indirect.scatter.add.f32 [tilespmem:s3], [sflag:$0x3], $0x80, s15, s26, $0xb8;
	[tilespmem:$0xCA00] =	vst v63  }
0x22: {  	_ =	swait.ge [sflag:s23], $0x2800  }
0x23: {  	[sflag:s23] =	ssyncset.done $0x0  }
0x24: {  	[sflag:s23] =	ssyncadd.s32 $0xFFFFD800  }
0x25: {  	_ =	swait.ge [sflag:s25], $0x2800  }
0x26: {  	[sflag:s25] =	ssyncset.done $0x0  }
0x27: {  	[sflag:s25] =	ssyncadd.s32 $0xFFFFD800  }
0x28: {  	[spmem:s1] =	stream.indirect.scatter.add.f32 [tilespmem:s16], [sflag:$0x3], $0x80, s17, s26, $0xb8;
	[tilespmem:$0xCA00] =	vst v63  }
0x29: {  	_ =	swait.ge [sflag:s23], $0x2800  }
0x2a: {  	[sflag:s23] =	ssyncset.done $0x0  }
0x2b: {  	[sflag:s23] =	ssyncadd.s32 $0xFFFFD800  }
0x2c: {  	_ =	swait.ge [sflag:s25], $0x2800  }
0x2d: {  	[sflag:s25] =	ssyncset.done $0x0  }
0x2e: {  	[sflag:s25] =	ssyncadd.s32 $0xFFFFD800  }
0x2f: {  	[spmem:s1] =	stream.indirect.scatter.add.f32 [tilespmem:s18], [sflag:$0x3], $0x80, s19, s26, $0xb8;
	[tilespmem:$0xCA00] =	vst v63  }
0x30: {  	_ =	swait.ge [sflag:s23], $0x2800  }
0x31: {  	[sflag:s23] =	ssyncset.done $0x0  }
0x32: {  	[sflag:s23] =	ssyncadd.s32 $0xFFFFD800  }
0x33: {  	_ =	swait.ge [sflag:s25], $0x2800  }
0x34: {  	[sflag:s25] =	ssyncset.done $0x0  }
0x35: {  	[sflag:s25] =	ssyncadd.s32 $0xFFFFD800  }
0x36: {  	[spmem:s1] =	stream.indirect.scatter.add.f32 [tilespmem:s20], [sflag:$0x3], $0x80, s21, s26, $0xb8;
	[tilespmem:$0xCA00] =	vst v63  }
0x37: {  	_ =	swait.ge [sflag:s23], $0x2800  }
0x38: {  	[sflag:s23] =	ssyncset.done $0x0  }
0x39: {  	s0 =	sshll.u32 @!p1 s5, $0x6;
	[sflag:s23] =	ssyncadd.s32 $0xFFFFD800  }
0x3a: {  	s2 =	sshrl.u32 @!p1 s4, $0x3;
	s28 =	sadd.s32 $0x1, s28;
	[bflag:$0x0] =	sbarrier.arrive $0xFFFF  }
0x3b: {  	s0 =	sor.u32 @!p1 $0x1C03, s0;
	p2 =	sne.s32 s28, s6;
	s22 =	rddreg [dreg:$0x5]  }
0x3c: {  	[hbm:s22], [sflag:s0] =	dma.local @!p1 [spmem:s2], $0x280  }
.Ltmp1:
0x3d: {  	_ = 	snop;
	(pc) =	sbr.rel @!p2 .LBB2_8-.Ltmp1, $4  }
0x3e: {  	s0 =	simm.s32 @!p1 $0x3  }
0x3f: {  	_ =	swait.ge @!p1 [sflag:s0], $0x280  }
0x40: {  	[sflag:s0] =	ssyncset.done @!p1 $0x0  }
0x41: {  	[sflag:s0] =	ssyncadd.s32 @!p1 $0xFFFFFD80  }
.LBB2_1:
0x42: {  	[tilespmem:s3], [sflag:$0x1] =	stream.linear.gather [hbm4b:s7+s3], $0x2800, $0x38;
	[tilespmem:$0xCA00] =	vst v63  }
0x43: {  	_ = 	snop  }
0x44: {  	[tilespmem:s15], [sflag:$0x2] =	stream.linear.gather [hbm4b:s8+s3], $0x50, $0x38;
	[tilespmem:$0xCA00] =	vst v63  }
0x45: {  	_ = 	snop  }
0x46: {  	[tilespmem:s16], [sflag:$0x1] =	stream.linear.gather [hbm4b:s9+s3], $0x2800, $0x38;
	[tilespmem:$0xCA00] =	vst v63  }
0x47: {  	_ = 	snop  }
0x48: {  	[tilespmem:s17], [sflag:$0x2] =	stream.linear.gather [hbm4b:s10+s3], $0x50, $0x38;
	[tilespmem:$0xCA00] =	vst v63  }
0x49: {  	_ = 	snop  }
0x4a: {  	[tilespmem:s18], [sflag:$0x1] =	stream.linear.gather [hbm4b:s11+s3], $0x2800, $0x38;
	[tilespmem:$0xCA00] =	vst v63  }
0x4b: {  	_ = 	snop  }
0x4c: {  	[tilespmem:s19], [sflag:$0x2] =	stream.linear.gather [hbm4b:s12+s3], $0x50, $0x38;
	[tilespmem:$0xCA00] =	vst v63  }
0x4d: {  	_ = 	snop  }
0x4e: {  	[tilespmem:s20], [sflag:$0x1] =	stream.linear.gather [hbm4b:s13+s3], $0x2800, $0x38;
	[tilespmem:$0xCA00] =	vst v63  }
0x4f: {  	s29 =	simm.s32 $0x0;
	s30 =	simm.s32 $0x200  }
0x50: {  	[tilespmem:s21], [sflag:$0x2] =	stream.linear.gather [hbm4b:s14+s3], $0x50, $0x38;
	[tilespmem:$0xCA00] =	vst v63  }
.LBB2_2:
0x51: {  	p2 =	sne.s32 s30, $0x4E00;
	[tilespmem:s29+$0xA270] =	vst v0  }
0x52: {  	[tilespmem:s29+$0xA200] =	vst v0  }
0x53: {  	[tilespmem:s29+$0xA210] =	vst v0  }
.Ltmp2:
0x54: {  	[tilespmem:s29+$0xA220] =	vst v0;
	(pc) =	sbr.rel @p2 .LBB2_2-.Ltmp2, $4  }
0x55: {  	[tilespmem:s29+$0xA230] =	vst v0  }
0x56: {  	[tilespmem:s29+$0xA240] =	vst v0  }
0x57: {  	[tilespmem:s29+$0xA250] =	vst v0  }
0x58: {  	[tilespmem:s29+$0xA260] =	vst v0;
	s29 =	sshra.s32 s30, $0x2;
	s30 =	sadd.s32 $0x200, s30  }
0x59: {  	[tilespmem:s29+$0xA270] =	vst v0  }
0x5a: {  	[tilespmem:s29+$0xA200] =	vst v0  }
0x5b: {  	[tilespmem:s29+$0xA210] =	vst v0  }
0x5c: {  	[tilespmem:s29+$0xA220] =	vst v0  }
0x5d: {  	[tilespmem:s29+$0xA230] =	vst v0  }
0x5e: {  	[tilespmem:s29+$0xA240] =	vst v0  }
0x5f: {  	[tilespmem:s29+$0xA250] =	vst v0  }
0x60: {  	[tilespmem:s29+$0xA260] =	vst v0;
	s0 =	simm.s32 $0xA200  }
0x61: {  	[spmem:s4] =	stream.linear.scatter [tilespmem:s0], [sflag:$0x3], $0x1400, $0x38;
	[tilespmem:$0xCA00] =	vst v63  }
0x62: {  	_ =	swait.ge [sflag:s23], $0x1400  }
0x63: {  	[sflag:s23] =	ssyncset.done $0x0  }
0x64: {  	[sflag:s23] =	ssyncadd.s32 $0xFFFFEC00  }
0x65: {  	_ =	swait.ge [sflag:s24], $0x50  }
0x66: {  	[sflag:s24] =	ssyncset.done $0x0  }
0x67: {  	[sflag:s24] =	ssyncadd.s32 $0xFFFFFFB0  }
0x68: {  	_ =	swait.ge [sflag:s24], $0x50  }
0x69: {  	[sflag:s24] =	ssyncset.done $0x0  }
0x6a: {  	[sflag:s24] =	ssyncadd.s32 $0xFFFFFFB0  }
0x6b: {  	_ =	swait.ge [sflag:s24], $0x50  }
.Ltmp3:
0x6c: {  	[sflag:s24] =	ssyncset.done $0x0;
	(pc) =	sbr.rel @p0 .LBB2_7-.Ltmp3, $4  }
0x6d: {  	[sflag:s24] =	ssyncadd.s32 $0xFFFFFFB0  }
0x6e: {  	_ =	swait.ge [sflag:s24], $0x50  }
0x6f: {  	[sflag:s24] =	ssyncset.done $0x0  }
0x70: {  	s31 =	simm.s32 $0x0;
	[sflag:s24] =	ssyncadd.s32 $0xFFFFFFB0  }
0x71: {  	s29 =	smul.u32 $0xCD, s31;
	_ =	sdelay $0x1  }
0x72: {  	s0 =	sshrl.u32 s29, $0xA  }
0x73: {  	s0 =	sand.u32 $0x3F, s0  }
0x74: {  	s30 =	simm.s32 $0x1;
	s0 =	smul.u32 $0x5, s0  }
.LBB2_5:
0x75: {  	s2 =	smul.u32 $0xCD, s30;
	s22 =	smov.u32 s30;
	p2 =	sne.s32 s30, $0xE  }
.Ltmp4:
0x76: {  	s30 =	sadd.s32 $0x1, s30;
	s0 =	ssub.s32 s31, s0;
	(pc) =	sbr.rel @p2 .LBB2_5-.Ltmp4, $4  }
0x77: {  	s31 =	sshrl.u32 s29, $0x3;
	s0 =	sand.u32 $0xFF, s0;
	s29 =	smov.u32 s2  }
0x78: {  	s31 =	sand.u32 $0x1F80, s31;
	s0 =	sshll.u32 s0, $0x4;
	s2 =	sshrl.u32 s29, $0xA  }
0x79: {  	s5 =	sor.u32 s0, s31;
	s31 =	smov.u32 s22;
	s2 =	sand.u32 $0x3F, s2  }
0x7a: {  	s0 =	smul.u32 $0x5, s2;
	[tilespmem:s5+$0xA000] =	vst v1  }
.Ltmp5:
0x7b: {  	_ = 	snop;
	(pc) =	sbr.rel .LBB2_6-.Ltmp5, $1  }
0x7c: {  	_ =	sdelay $0x3  }
.LBB2_8:
0x7d: {  	_ =	sfence.sel $0x180000  }
0x7e: {  	[bflag:$0x0] =	sbarrier.arrive $0xFFFF  }
0x7f: {  	_ =	strace $0x90000047  }
0x80: {  	[bflag:$0x2] =	sbarrier.arrive $0xFFFF  }
0x81: {  	p0 =	sne.s32 s5, $0x0;
	s0 =	rddreg [dreg:$0x4]  }
0x82: {  	s0 =	sadd.s32 @!p0 $0x100000, s0  }
0x83: {  	[sflag:s0] =	ssyncadd.tile.s32 @!p0 $0x1;
	_ =	shalt  }
.Lfunc_end2:
_tile_overlayer_lowered:
.L_overlay_start_2:
0x84: {  	(tag) =	ssettag $0x2  }
0x85: {  	s0 =	rddreg [dreg:$0x0];
	s2 =	stileid.u32  }
0x86: {  	s1 =	rddreg [dreg:$0x1];
	p0 =	sne.s32 s2, $0x0  }
0x87: {  	s3 =	rddreg [dreg:$0x2];
	[bflag:$0x3] =	sbarrier.arrive $0xFFFF;
	s2 =	simm.s32 @!p0 $0x1C03  }
0x88: {  	[timem:s3], [sflag:s2] =	dma.local @!p0 [hbm:s0], s1  }
0x89: {  	s0 =	simm.s32 @!p0 $0x3  }
0x8a: {  	_ =	swait.ge @!p0 [sflag:s0], s1  }
0x8b: {  	s1 =	ssub.s32 @!p0 $0x0, s1;
	[sflag:s0] =	ssyncset.done @!p0 $0x0  }
0x8c: {  	[sflag:s0] =	ssyncadd.s32 @!p0 s1  }
0x8d: {  	[bflag:$0x3] =	sbarrier.arrive $0xFFFF  }
0x8e: {  	_ =	shalt  }

</sc_bundles>
